<compile_context>
chip_gen: v7x
topology: tpu7x:2x2x1
jax: 0.10.2.dev20260603
libtpu: 0.0.44.dev20260713+nightly
codegen_flags: <defaults>
</compile_context>

<pallas_src>
import functools

import jax
import jax.numpy as jnp
from jax import lax
from jax.experimental import pallas as pl
from jax.experimental.pallas import tpu as pltpu
from jax.experimental.pallas import tpu_sc as plsc



def _sc_gather(t_sta, t_net, t_cha, t_sen, i_sta, i_net, i_cha, i_sen):
    B = i_sta.shape[0]
    info = plsc.get_sparse_core_info()
    NC, NS = info.num_cores, info.num_subcores
    NW = NC * NS
    bw = B // NW
    mesh = plsc.VectorSubcoreMesh(core_axis_name="c", subcore_axis_name="s")

    @functools.partial(
        pl.kernel,
        mesh=mesh,
        compiler_params=pltpu.CompilerParams(use_tc_tiling_on_sc=False),
        out_type=[
            jax.ShapeDtypeStruct((B, 32), jnp.float32),
            jax.ShapeDtypeStruct((B, 32), jnp.float32),
            jax.ShapeDtypeStruct((B, 16), jnp.float32),
            jax.ShapeDtypeStruct((B, 16), jnp.float32),
        ],
        scratch_types=[
            pltpu.VMEM((bw,), jnp.int32),
            pltpu.VMEM((bw,), jnp.int32),
            pltpu.VMEM((bw,), jnp.int32),
            pltpu.VMEM((bw,), jnp.int32),
            pltpu.VMEM((bw, 32), jnp.float32),
            pltpu.VMEM((bw, 32), jnp.float32),
            pltpu.VMEM((bw, 16), jnp.float32),
            pltpu.VMEM((bw, 16), jnp.float32),
            pltpu.SemaphoreType.DMA,
            pltpu.SemaphoreType.DMA,
            pltpu.SemaphoreType.DMA,
            pltpu.SemaphoreType.DMA,
        ],
    )
    def gather_k(ts_h, tn_h, tc_h, te_h, is_h, in_h, ic_h, ie_h,
                 os_h, on_h, oc_h, oe_h,
                 iv_s, iv_n, iv_c, iv_e, rv_s, rv_n, rv_c, rv_e,
                 sem_s, sem_n, sem_c, sem_e):
        wid = lax.axis_index("s") * NC + lax.axis_index("c")
        base = wid * bw
        pltpu.sync_copy(is_h.at[pl.ds(base, bw)], iv_s)
        pltpu.sync_copy(in_h.at[pl.ds(base, bw)], iv_n)
        pltpu.sync_copy(ic_h.at[pl.ds(base, bw)], iv_c)
        pltpu.sync_copy(ie_h.at[pl.ds(base, bw)], iv_e)
        cp_s = pltpu.async_copy(ts_h.at[iv_s], rv_s, sem_s)
        cp_n = pltpu.async_copy(tn_h.at[iv_n], rv_n, sem_n)
        cp_c = pltpu.async_copy(tc_h.at[iv_c], rv_c, sem_c)
        cp_e = pltpu.async_copy(te_h.at[iv_e], rv_e, sem_e)
        cp_s.wait()
        pltpu.sync_copy(rv_s, os_h.at[pl.ds(base, bw)])
        cp_n.wait()
        pltpu.sync_copy(rv_n, on_h.at[pl.ds(base, bw)])
        cp_c.wait()
        pltpu.sync_copy(rv_c, oc_h.at[pl.ds(base, bw)])
        cp_e.wait()
        pltpu.sync_copy(rv_e, oe_h.at[pl.ds(base, bw)])

    return gather_k(t_sta, t_net, t_cha, t_sen, i_sta, i_net, i_cha, i_sen)



def _dense_body(es_r, en_r, ec_r, ee_r, cont_r,
                w1_r, b1_r, w2_r, b2_r, wp1_r, bp1_r, wp2_r, bp2_r,
                out_r):
    f32 = jnp.float32
    h = jnp.dot(cont_r[...], w1_r[...], preferred_element_type=f32) + b1_r[...]
    h = jnp.maximum(h, 0.0)
    h = jnp.dot(h, w2_r[...], preferred_element_type=f32) + b2_r[...]
    h = jnp.maximum(h, 0.0)
    p = (jnp.dot(es_r[...], wp1_r[0:32, :], preferred_element_type=f32)
         + jnp.dot(en_r[...], wp1_r[32:64, :], preferred_element_type=f32)
         + jnp.dot(ec_r[...], wp1_r[64:80, :], preferred_element_type=f32)
         + jnp.dot(ee_r[...], wp1_r[80:96, :], preferred_element_type=f32)
         + jnp.dot(h, wp1_r[96:224, :], preferred_element_type=f32)
         + bp1_r[...])
    p = jnp.maximum(p, 0.0)
    out_r[...] = (jnp.dot(p, wp2_r[...], preferred_element_type=f32)
                  + bp2_r[...])


def _tc_dense(es, en, ec, ee, cont, W1, b1, W2, b2, Wp1, bp1, Wp2, bp2):
    B = es.shape[0]
    BM = 2048
    grid = (B // BM,)

    def row_spec(n):
        return pl.BlockSpec((BM, n), lambda i: (i, 0))

    def full_spec(m, n):
        return pl.BlockSpec((m, n), lambda i: (0, 0))

    return pl.pallas_call(
        _dense_body,
        grid=grid,
        in_specs=[
            row_spec(32), row_spec(32), row_spec(16), row_spec(16),
            row_spec(3),
            full_spec(3, 128), full_spec(1, 128),
            full_spec(128, 128), full_spec(1, 128),
            full_spec(224, 128), full_spec(1, 128),
            full_spec(128, 128), full_spec(1, 128),
        ],
        out_specs=row_spec(128),
        out_shape=jax.ShapeDtypeStruct((B, 128), jnp.float32),
    )(es, en, ec, ee, cont, W1, b1, W2, b2, Wp1, bp1, Wp2, bp2)


def kernel(station_id, network_id, channel_code, sensor_type,
           latitude, longitude, elevation,
           T_station, T_network, T_channel, T_sensor,
           W1, b1, W2, b2, Wp1, bp1, Wp2, bp2):
    es, en, ec, ee = _sc_gather(
        T_station, T_network, T_channel, T_sensor,
        station_id.astype(jnp.int32), network_id.astype(jnp.int32),
        channel_code.astype(jnp.int32), sensor_type.astype(jnp.int32))
    cont = jnp.stack([latitude, longitude, elevation], axis=-1)
    return _tc_dense(es, en, ec, ee, cont,
                     W1, b1.reshape(1, -1), W2, b2.reshape(1, -1),
                     Wp1, bp1.reshape(1, -1), Wp2, bp2.reshape(1, -1))

# --- scband reference (transcript-rebuilt; emitter-appended) ---
"""Pipeline reference for scband-metadata-embedder-40346922779297 (READ-ONLY COPY).

The authoritative reference and input builder live on the scoring server;
editing this copy changes nothing except your own understanding.
"""

import jax, jax.numpy as jnp
import numpy as np

B = 16384

def setup_inputs(seed: int = 0) -> dict:
    key = jax.random.key(seed)
    ks = jax.random.split(key, 16)
    s = 0.02
    inp = {}
    inp["station_id"] = jax.random.randint(ks[0], (B,), 0, 1000000)
    inp["network_id"] = jax.random.randint(ks[1], (B,), 0, 100000)
    inp["channel_code"] = jax.random.randint(ks[2], (B,), 0, 1000)
    inp["sensor_type"] = jax.random.randint(ks[3], (B,), 0, 1000)
    inp["latitude"] = jax.random.normal(ks[4], (B,), dtype=jnp.float32)
    inp["longitude"] = jax.random.normal(ks[5], (B,), dtype=jnp.float32)
    inp["elevation"] = jax.random.normal(ks[6], (B,), dtype=jnp.float32)
    # learned parameters
    inp["T_station"] = jax.random.normal(ks[7], (1000000, 32), dtype=jnp.float32) * s
    inp["T_network"] = jax.random.normal(ks[8], (100000, 32), dtype=jnp.float32) * s
    inp["T_channel"] = jax.random.normal(ks[9], (1000, 16), dtype=jnp.float32) * s
    inp["T_sensor"] = jax.random.normal(ks[10], (1000, 16), dtype=jnp.float32) * s
    inp["W1"] = jax.random.normal(ks[11], (3, 128), dtype=jnp.float32) * s
    inp["b1"] = jnp.zeros((128,), dtype=jnp.float32)
    inp["W2"] = jax.random.normal(ks[12], (128, 128), dtype=jnp.float32) * s
    inp["b2"] = jnp.zeros((128,), dtype=jnp.float32)
    inp["Wp1"] = jax.random.normal(ks[13], (224, 128), dtype=jnp.float32) * s
    inp["bp1"] = jnp.zeros((128,), dtype=jnp.float32)
    inp["Wp2"] = jax.random.normal(ks[14], (128, 128), dtype=jnp.float32) * s
    inp["bp2"] = jnp.zeros((128,), dtype=jnp.float32)
    return inp


def reference(station_id, network_id, channel_code, sensor_type,
              latitude, longitude, elevation,
              T_station, T_network, T_channel, T_sensor,
              W1, b1, W2, b2, Wp1, bp1, Wp2, bp2):
    # categorical embedding lookups (gathers)
    e_station = jnp.take(T_station, station_id, axis=0)   # (B, 32)
    e_network = jnp.take(T_network, network_id, axis=0)   # (B, 32)
    e_channel = jnp.take(T_channel, channel_code, axis=0) # (B, 16)
    e_sensor = jnp.take(T_sensor, sensor_type, axis=0)    # (B, 16)
    # continuous MLP (dropout=0 / eval mode -> identity)
    cont = jnp.stack([latitude, longitude, elevation], axis=-1)  # (B, 3)
    h = jax.nn.relu(cont @ W1 + b1)
    h = jax.nn.relu(h @ W2 + b2)                            # (B, 128)
    combined = jnp.concatenate([e_station, e_network, e_channel, e_sensor, h], axis=-1)  # (B, 224)
    p = jax.nn.relu(combined @ Wp1 + bp1)
    out = p @ Wp2 + bp2                                     # (B, 128)
    return out

if __name__ == "__main__":
    import jax
    _d = setup_inputs()
    print(jax.jit(kernel)(*tuple(_d.values())))

</pallas_src>

<mosaic_0001>
#map = affine_map<(d0, d1) -> (0, 0)>
#map1 = affine_map<(d0, d1) -> (0)>
module attributes {stable_mosaic.version = 14 : i64} {
  func.func @gather_k(%arg0: i32, %arg1: i32, %arg2: memref<1000000x32xf32, #tpu.memory_space<hbm>>, %arg3: memref<100000x32xf32, #tpu.memory_space<hbm>>, %arg4: memref<1000x16xf32, #tpu.memory_space<hbm>>, %arg5: memref<1000x16xf32, #tpu.memory_space<hbm>>, %arg6: memref<16384xi32, #tpu.memory_space<hbm>>, %arg7: memref<16384xi32, #tpu.memory_space<hbm>>, %arg8: memref<16384xi32, #tpu.memory_space<hbm>>, %arg9: memref<16384xi32, #tpu.memory_space<hbm>>, %arg10: memref<16384x32xf32, #tpu.memory_space<hbm>>, %arg11: memref<16384x32xf32, #tpu.memory_space<hbm>>, %arg12: memref<16384x16xf32, #tpu.memory_space<hbm>>, %arg13: memref<16384x16xf32, #tpu.memory_space<hbm>>, %arg14: memref<512xi32, #tpu.memory_space<vmem>>, %arg15: memref<512xi32, #tpu.memory_space<vmem>>, %arg16: memref<512xi32, #tpu.memory_space<vmem>>, %arg17: memref<512xi32, #tpu.memory_space<vmem>>, %arg18: memref<512x32xf32, #tpu.memory_space<vmem>>, %arg19: memref<512x32xf32, #tpu.memory_space<vmem>>, %arg20: memref<512x16xf32, #tpu.memory_space<vmem>>, %arg21: memref<512x16xf32, #tpu.memory_space<vmem>>, %arg22: memref<!tpu.dma_semaphore, #tpu.memory_space<semaphore_mem>>, %arg23: memref<!tpu.dma_semaphore, #tpu.memory_space<semaphore_mem>>, %arg24: memref<!tpu.dma_semaphore, #tpu.memory_space<semaphore_mem>>, %arg25: memref<!tpu.dma_semaphore, #tpu.memory_space<semaphore_mem>>) attributes {dimension_semantics = [#tpu.dimension_semantics<core_parallel>, #tpu.dimension_semantics<subcore_parallel>], iteration_bounds = array<i64: 2, 16>, scalar_prefetch = 0 : i64, scratch_operands = 12 : i64, tpu.core_type = #tpu.core_type<sc_vector_subcore>, window_params = [{transform_indices = #map}, {transform_indices = #map}, {transform_indices = #map}, {transform_indices = #map}, {transform_indices = #map1}, {transform_indices = #map1}, {transform_indices = #map1}, {transform_indices = #map1}, {transform_indices = #map}, {transform_indices = #map}, {transform_indices = #map}, {transform_indices = #map}]} {
    %mul3A = arith.constant 2 : i32
    %mul3A_0 = arith.muli %arg1, %mul3A : i32
    %add3A = arith.addi %mul3A_0, %arg0 : i32
    %mul3A_1 = arith.constant 512 : i32
    %mul3A_2 = arith.muli %add3A, %mul3A_1 : i32
    "tpu.region"() ({
      %run_scoped3A = tpu.sem_alloc : memref<!tpu.dma_semaphore, #tpu.memory_space<semaphore_mem>>
      %dma_start3A_25 = tpu.memref_slice %arg6[%mul3A_2] : memref<16384xi32, #tpu.memory_space<hbm>> -> memref<512xi32, #tpu.memory_space<hbm>>
      %dma_start3A_26 = tpu.memref_slice %arg6[%mul3A_2] : memref<16384xi32, #tpu.memory_space<hbm>> -> memref<512xi32, #tpu.memory_space<hbm>>
      tpu.enqueue_dma source(%dma_start3A_26 : memref<512xi32, #tpu.memory_space<hbm>>) target(%arg14 : memref<512xi32, #tpu.memory_space<vmem>>) target_semaphore(%run_scoped3A : memref<!tpu.dma_semaphore, #tpu.memory_space<semaphore_mem>>)
      %dma_wait3A_27 = tpu.memref_slice %arg6[%mul3A_2] : memref<16384xi32, #tpu.memory_space<hbm>> -> memref<512xi32, #tpu.memory_space<hbm>>
      %dma_wait3A_28 = tpu.memref_slice %arg6[%mul3A_2] : memref<16384xi32, #tpu.memory_space<hbm>> -> memref<512xi32, #tpu.memory_space<hbm>>
      tpu.wait_dma2 semaphore(%run_scoped3A : memref<!tpu.dma_semaphore, #tpu.memory_space<semaphore_mem>>) src(%dma_wait3A_28 : memref<512xi32, #tpu.memory_space<hbm>>) dst(%arg14 : memref<512xi32, #tpu.memory_space<vmem>>)
      tpu.yield
    }) : () -> ()
    "tpu.region"() ({
      %run_scoped3A = tpu.sem_alloc : memref<!tpu.dma_semaphore, #tpu.memory_space<semaphore_mem>>
      %dma_start3A_25 = tpu.memref_slice %arg7[%mul3A_2] : memref<16384xi32, #tpu.memory_space<hbm>> -> memref<512xi32, #tpu.memory_space<hbm>>
      %dma_start3A_26 = tpu.memref_slice %arg7[%mul3A_2] : memref<16384xi32, #tpu.memory_space<hbm>> -> memref<512xi32, #tpu.memory_space<hbm>>
      tpu.enqueue_dma source(%dma_start3A_26 : memref<512xi32, #tpu.memory_space<hbm>>) target(%arg15 : memref<512xi32, #tpu.memory_space<vmem>>) target_semaphore(%run_scoped3A : memref<!tpu.dma_semaphore, #tpu.memory_space<semaphore_mem>>)
      %dma_wait3A_27 = tpu.memref_slice %arg7[%mul3A_2] : memref<16384xi32, #tpu.memory_space<hbm>> -> memref<512xi32, #tpu.memory_space<hbm>>
      %dma_wait3A_28 = tpu.memref_slice %arg7[%mul3A_2] : memref<16384xi32, #tpu.memory_space<hbm>> -> memref<512xi32, #tpu.memory_space<hbm>>
      tpu.wait_dma2 semaphore(%run_scoped3A : memref<!tpu.dma_semaphore, #tpu.memory_space<semaphore_mem>>) src(%dma_wait3A_28 : memref<512xi32, #tpu.memory_space<hbm>>) dst(%arg15 : memref<512xi32, #tpu.memory_space<vmem>>)
      tpu.yield
    }) : () -> ()
    "tpu.region"() ({
      %run_scoped3A = tpu.sem_alloc : memref<!tpu.dma_semaphore, #tpu.memory_space<semaphore_mem>>
      %dma_start3A_25 = tpu.memref_slice %arg8[%mul3A_2] : memref<16384xi32, #tpu.memory_space<hbm>> -> memref<512xi32, #tpu.memory_space<hbm>>
      %dma_start3A_26 = tpu.memref_slice %arg8[%mul3A_2] : memref<16384xi32, #tpu.memory_space<hbm>> -> memref<512xi32, #tpu.memory_space<hbm>>
      tpu.enqueue_dma source(%dma_start3A_26 : memref<512xi32, #tpu.memory_space<hbm>>) target(%arg16 : memref<512xi32, #tpu.memory_space<vmem>>) target_semaphore(%run_scoped3A : memref<!tpu.dma_semaphore, #tpu.memory_space<semaphore_mem>>)
      %dma_wait3A_27 = tpu.memref_slice %arg8[%mul3A_2] : memref<16384xi32, #tpu.memory_space<hbm>> -> memref<512xi32, #tpu.memory_space<hbm>>
      %dma_wait3A_28 = tpu.memref_slice %arg8[%mul3A_2] : memref<16384xi32, #tpu.memory_space<hbm>> -> memref<512xi32, #tpu.memory_space<hbm>>
      tpu.wait_dma2 semaphore(%run_scoped3A : memref<!tpu.dma_semaphore, #tpu.memory_space<semaphore_mem>>) src(%dma_wait3A_28 : memref<512xi32, #tpu.memory_space<hbm>>) dst(%arg16 : memref<512xi32, #tpu.memory_space<vmem>>)
      tpu.yield
    }) : () -> ()
    "tpu.region"() ({
      %run_scoped3A = tpu.sem_alloc : memref<!tpu.dma_semaphore, #tpu.memory_space<semaphore_mem>>
      %dma_start3A_25 = tpu.memref_slice %arg9[%mul3A_2] : memref<16384xi32, #tpu.memory_space<hbm>> -> memref<512xi32, #tpu.memory_space<hbm>>
      %dma_start3A_26 = tpu.memref_slice %arg9[%mul3A_2] : memref<16384xi32, #tpu.memory_space<hbm>> -> memref<512xi32, #tpu.memory_space<hbm>>
      tpu.enqueue_dma source(%dma_start3A_26 : memref<512xi32, #tpu.memory_space<hbm>>) target(%arg17 : memref<512xi32, #tpu.memory_space<vmem>>) target_semaphore(%run_scoped3A : memref<!tpu.dma_semaphore, #tpu.memory_space<semaphore_mem>>)
      %dma_wait3A_27 = tpu.memref_slice %arg9[%mul3A_2] : memref<16384xi32, #tpu.memory_space<hbm>> -> memref<512xi32, #tpu.memory_space<hbm>>
      %dma_wait3A_28 = tpu.memref_slice %arg9[%mul3A_2] : memref<16384xi32, #tpu.memory_space<hbm>> -> memref<512xi32, #tpu.memory_space<hbm>>
      tpu.wait_dma2 semaphore(%run_scoped3A : memref<!tpu.dma_semaphore, #tpu.memory_space<semaphore_mem>>) src(%dma_wait3A_28 : memref<512xi32, #tpu.memory_space<hbm>>) dst(%arg17 : memref<512xi32, #tpu.memory_space<vmem>>)
      tpu.yield
    }) : () -> ()
    %dma_start3A = arith.constant 0 : i32
    %dma_start3A_3 = arith.constant 0 : i32
    %dma_start3A_4 = tpu.memref_slice %arg2[%dma_start3A, %dma_start3A_3] : memref<1000000x32xf32, #tpu.memory_space<hbm>> -> memref<1000000x32xf32, #tpu.memory_space<hbm>>
    tpu.enqueue_indirect_dma source(%dma_start3A_4 : memref<1000000x32xf32, #tpu.memory_space<hbm>>) target(%arg18 : memref<512x32xf32, #tpu.memory_space<vmem>>) offsets(%arg14 : memref<512xi32, #tpu.memory_space<vmem>>) semaphore(%arg22 : memref<!tpu.dma_semaphore, #tpu.memory_space<semaphore_mem>>)
    %dma_start3A_5 = arith.constant 0 : i32
    %dma_start3A_6 = arith.constant 0 : i32
    %dma_start3A_7 = tpu.memref_slice %arg3[%dma_start3A_5, %dma_start3A_6] : memref<100000x32xf32, #tpu.memory_space<hbm>> -> memref<100000x32xf32, #tpu.memory_space<hbm>>
    tpu.enqueue_indirect_dma source(%dma_start3A_7 : memref<100000x32xf32, #tpu.memory_space<hbm>>) target(%arg19 : memref<512x32xf32, #tpu.memory_space<vmem>>) offsets(%arg15 : memref<512xi32, #tpu.memory_space<vmem>>) semaphore(%arg23 : memref<!tpu.dma_semaphore, #tpu.memory_space<semaphore_mem>>)
    %dma_start3A_8 = arith.constant 0 : i32
    %dma_start3A_9 = arith.constant 0 : i32
    %dma_start3A_10 = tpu.memref_slice %arg4[%dma_start3A_8, %dma_start3A_9] : memref<1000x16xf32, #tpu.memory_space<hbm>> -> memref<1000x16xf32, #tpu.memory_space<hbm>>
    tpu.enqueue_indirect_dma source(%dma_start3A_10 : memref<1000x16xf32, #tpu.memory_space<hbm>>) target(%arg20 : memref<512x16xf32, #tpu.memory_space<vmem>>) offsets(%arg16 : memref<512xi32, #tpu.memory_space<vmem>>) semaphore(%arg24 : memref<!tpu.dma_semaphore, #tpu.memory_space<semaphore_mem>>)
    %dma_start3A_11 = arith.constant 0 : i32
    %dma_start3A_12 = arith.constant 0 : i32
    %dma_start3A_13 = tpu.memref_slice %arg5[%dma_start3A_11, %dma_start3A_12] : memref<1000x16xf32, #tpu.memory_space<hbm>> -> memref<1000x16xf32, #tpu.memory_space<hbm>>
    tpu.enqueue_indirect_dma source(%dma_start3A_13 : memref<1000x16xf32, #tpu.memory_space<hbm>>) target(%arg21 : memref<512x16xf32, #tpu.memory_space<vmem>>) offsets(%arg17 : memref<512xi32, #tpu.memory_space<vmem>>) semaphore(%arg25 : memref<!tpu.dma_semaphore, #tpu.memory_space<semaphore_mem>>)
    %dma_wait3A = arith.constant 0 : i32
    %dma_wait3A_14 = arith.constant 0 : i32
    %dma_wait3A_15 = tpu.memref_slice %arg2[%dma_wait3A, %dma_wait3A_14] : memref<1000000x32xf32, #tpu.memory_space<hbm>> -> memref<1000000x32xf32, #tpu.memory_space<hbm>>
    tpu.wait_indirect_dma semaphore(%arg22 : memref<!tpu.dma_semaphore, #tpu.memory_space<semaphore_mem>>) src(%dma_wait3A_15 : memref<1000000x32xf32, #tpu.memory_space<hbm>>) dst(%arg18 : memref<512x32xf32, #tpu.memory_space<vmem>>)
    "tpu.region"() ({
      %run_scoped3A = tpu.sem_alloc : memref<!tpu.dma_semaphore, #tpu.memory_space<semaphore_mem>>
      %dma_start3A_25 = arith.constant 0 : i32
      %dma_start3A_26 = tpu.memref_slice %arg10[%mul3A_2, %dma_start3A_25] : memref<16384x32xf32, #tpu.memory_space<hbm>> -> memref<512x32xf32, #tpu.memory_space<hbm>>
      %dma_start3A_27 = arith.constant 0 : i32
      %dma_start3A_28 = tpu.memref_slice %arg10[%mul3A_2, %dma_start3A_27] : memref<16384x32xf32, #tpu.memory_space<hbm>> -> memref<512x32xf32, #tpu.memory_space<hbm>>
      tpu.enqueue_dma source(%arg18 : memref<512x32xf32, #tpu.memory_space<vmem>>) target(%dma_start3A_28 : memref<512x32xf32, #tpu.memory_space<hbm>>) target_semaphore(%run_scoped3A : memref<!tpu.dma_semaphore, #tpu.memory_space<semaphore_mem>>)
      %dma_wait3A_29 = arith.constant 0 : i32
      %dma_wait3A_30 = tpu.memref_slice %arg10[%mul3A_2, %dma_wait3A_29] : memref<16384x32xf32, #tpu.memory_space<hbm>> -> memref<512x32xf32, #tpu.memory_space<hbm>>
      %dma_wait3A_31 = arith.constant 0 : i32
      %dma_wait3A_32 = tpu.memref_slice %arg10[%mul3A_2, %dma_wait3A_31] : memref<16384x32xf32, #tpu.memory_space<hbm>> -> memref<512x32xf32, #tpu.memory_space<hbm>>
      tpu.wait_dma2 semaphore(%run_scoped3A : memref<!tpu.dma_semaphore, #tpu.memory_space<semaphore_mem>>) src(%arg18 : memref<512x32xf32, #tpu.memory_space<vmem>>) dst(%dma_wait3A_32 : memref<512x32xf32, #tpu.memory_space<hbm>>)
      tpu.yield
    }) : () -> ()
    %dma_wait3A_16 = arith.constant 0 : i32
    %dma_wait3A_17 = arith.constant 0 : i32
    %dma_wait3A_18 = tpu.memref_slice %arg3[%dma_wait3A_16, %dma_wait3A_17] : memref<100000x32xf32, #tpu.memory_space<hbm>> -> memref<100000x32xf32, #tpu.memory_space<hbm>>
    tpu.wait_indirect_dma semaphore(%arg23 : memref<!tpu.dma_semaphore, #tpu.memory_space<semaphore_mem>>) src(%dma_wait3A_18 : memref<100000x32xf32, #tpu.memory_space<hbm>>) dst(%arg19 : memref<512x32xf32, #tpu.memory_space<vmem>>)
    "tpu.region"() ({
      %run_scoped3A = tpu.sem_alloc : memref<!tpu.dma_semaphore, #tpu.memory_space<semaphore_mem>>
      %dma_start3A_25 = arith.constant 0 : i32
      %dma_start3A_26 = tpu.memref_slice %arg11[%mul3A_2, %dma_start3A_25] : memref<16384x32xf32, #tpu.memory_space<hbm>> -> memref<512x32xf32, #tpu.memory_space<hbm>>
      %dma_start3A_27 = arith.constant 0 : i32
      %dma_start3A_28 = tpu.memref_slice %arg11[%mul3A_2, %dma_start3A_27] : memref<16384x32xf32, #tpu.memory_space<hbm>> -> memref<512x32xf32, #tpu.memory_space<hbm>>
      tpu.enqueue_dma source(%arg19 : memref<512x32xf32, #tpu.memory_space<vmem>>) target(%dma_start3A_28 : memref<512x32xf32, #tpu.memory_space<hbm>>) target_semaphore(%run_scoped3A : memref<!tpu.dma_semaphore, #tpu.memory_space<semaphore_mem>>)
      %dma_wait3A_29 = arith.constant 0 : i32
      %dma_wait3A_30 = tpu.memref_slice %arg11[%mul3A_2, %dma_wait3A_29] : memref<16384x32xf32, #tpu.memory_space<hbm>> -> memref<512x32xf32, #tpu.memory_space<hbm>>
      %dma_wait3A_31 = arith.constant 0 : i32
      %dma_wait3A_32 = tpu.memref_slice %arg11[%mul3A_2, %dma_wait3A_31] : memref<16384x32xf32, #tpu.memory_space<hbm>> -> memref<512x32xf32, #tpu.memory_space<hbm>>
      tpu.wait_dma2 semaphore(%run_scoped3A : memref<!tpu.dma_semaphore, #tpu.memory_space<semaphore_mem>>) src(%arg19 : memref<512x32xf32, #tpu.memory_space<vmem>>) dst(%dma_wait3A_32 : memref<512x32xf32, #tpu.memory_space<hbm>>)
      tpu.yield
    }) : () -> ()
    %dma_wait3A_19 = arith.constant 0 : i32
    %dma_wait3A_20 = arith.constant 0 : i32
    %dma_wait3A_21 = tpu.memref_slice %arg4[%dma_wait3A_19, %dma_wait3A_20] : memref<1000x16xf32, #tpu.memory_space<hbm>> -> memref<1000x16xf32, #tpu.memory_space<hbm>>
    tpu.wait_indirect_dma semaphore(%arg24 : memref<!tpu.dma_semaphore, #tpu.memory_space<semaphore_mem>>) src(%dma_wait3A_21 : memref<1000x16xf32, #tpu.memory_space<hbm>>) dst(%arg20 : memref<512x16xf32, #tpu.memory_space<vmem>>)
    "tpu.region"() ({
      %run_scoped3A = tpu.sem_alloc : memref<!tpu.dma_semaphore, #tpu.memory_space<semaphore_mem>>
      %dma_start3A_25 = arith.constant 0 : i32
      %dma_start3A_26 = tpu.memref_slice %arg12[%mul3A_2, %dma_start3A_25] : memref<16384x16xf32, #tpu.memory_space<hbm>> -> memref<512x16xf32, #tpu.memory_space<hbm>>
      %dma_start3A_27 = arith.constant 0 : i32
      %dma_start3A_28 = tpu.memref_slice %arg12[%mul3A_2, %dma_start3A_27] : memref<16384x16xf32, #tpu.memory_space<hbm>> -> memref<512x16xf32, #tpu.memory_space<hbm>>
      tpu.enqueue_dma source(%arg20 : memref<512x16xf32, #tpu.memory_space<vmem>>) target(%dma_start3A_28 : memref<512x16xf32, #tpu.memory_space<hbm>>) target_semaphore(%run_scoped3A : memref<!tpu.dma_semaphore, #tpu.memory_space<semaphore_mem>>)
      %dma_wait3A_29 = arith.constant 0 : i32
      %dma_wait3A_30 = tpu.memref_slice %arg12[%mul3A_2, %dma_wait3A_29] : memref<16384x16xf32, #tpu.memory_space<hbm>> -> memref<512x16xf32, #tpu.memory_space<hbm>>
      %dma_wait3A_31 = arith.constant 0 : i32
      %dma_wait3A_32 = tpu.memref_slice %arg12[%mul3A_2, %dma_wait3A_31] : memref<16384x16xf32, #tpu.memory_space<hbm>> -> memref<512x16xf32, #tpu.memory_space<hbm>>
      tpu.wait_dma2 semaphore(%run_scoped3A : memref<!tpu.dma_semaphore, #tpu.memory_space<semaphore_mem>>) src(%arg20 : memref<512x16xf32, #tpu.memory_space<vmem>>) dst(%dma_wait3A_32 : memref<512x16xf32, #tpu.memory_space<hbm>>)
      tpu.yield
    }) : () -> ()
    %dma_wait3A_22 = arith.constant 0 : i32
    %dma_wait3A_23 = arith.constant 0 : i32
    %dma_wait3A_24 = tpu.memref_slice %arg5[%dma_wait3A_22, %dma_wait3A_23] : memref<1000x16xf32, #tpu.memory_space<hbm>> -> memref<1000x16xf32, #tpu.memory_space<hbm>>
    tpu.wait_indirect_dma semaphore(%arg25 : memref<!tpu.dma_semaphore, #tpu.memory_space<semaphore_mem>>) src(%dma_wait3A_24 : memref<1000x16xf32, #tpu.memory_space<hbm>>) dst(%arg21 : memref<512x16xf32, #tpu.memory_space<vmem>>)
    "tpu.region"() ({
      %run_scoped3A = tpu.sem_alloc : memref<!tpu.dma_semaphore, #tpu.memory_space<semaphore_mem>>
      %dma_start3A_25 = arith.constant 0 : i32
      %dma_start3A_26 = tpu.memref_slice %arg13[%mul3A_2, %dma_start3A_25] : memref<16384x16xf32, #tpu.memory_space<hbm>> -> memref<512x16xf32, #tpu.memory_space<hbm>>
      %dma_start3A_27 = arith.constant 0 : i32
      %dma_start3A_28 = tpu.memref_slice %arg13[%mul3A_2, %dma_start3A_27] : memref<16384x16xf32, #tpu.memory_space<hbm>> -> memref<512x16xf32, #tpu.memory_space<hbm>>
      tpu.enqueue_dma source(%arg21 : memref<512x16xf32, #tpu.memory_space<vmem>>) target(%dma_start3A_28 : memref<512x16xf32, #tpu.memory_space<hbm>>) target_semaphore(%run_scoped3A : memref<!tpu.dma_semaphore, #tpu.memory_space<semaphore_mem>>)
      %dma_wait3A_29 = arith.constant 0 : i32
      %dma_wait3A_30 = tpu.memref_slice %arg13[%mul3A_2, %dma_wait3A_29] : memref<16384x16xf32, #tpu.memory_space<hbm>> -> memref<512x16xf32, #tpu.memory_space<hbm>>
      %dma_wait3A_31 = arith.constant 0 : i32
      %dma_wait3A_32 = tpu.memref_slice %arg13[%mul3A_2, %dma_wait3A_31] : memref<16384x16xf32, #tpu.memory_space<hbm>> -> memref<512x16xf32, #tpu.memory_space<hbm>>
      tpu.wait_dma2 semaphore(%run_scoped3A : memref<!tpu.dma_semaphore, #tpu.memory_space<semaphore_mem>>) src(%arg21 : memref<512x16xf32, #tpu.memory_space<vmem>>) dst(%dma_wait3A_32 : memref<512x16xf32, #tpu.memory_space<hbm>>)
      tpu.yield
    }) : () -> ()
    return
  }
}

module attributes {stable_mosaic.version = 14 : i64} {
  func.func @_dense_body(%arg0: i32, %arg1: memref<2048x32xf32, #tpu.memory_space<vmem>>, %arg2: memref<2048x32xf32, #tpu.memory_space<vmem>>, %arg3: memref<2048x16xf32, #tpu.memory_space<vmem>>, %arg4: memref<2048x16xf32, #tpu.memory_space<vmem>>, %arg5: memref<2048x3xf32, #tpu.memory_space<vmem>>, %arg6: memref<3x128xf32, #tpu.memory_space<vmem>>, %arg7: memref<1x128xf32, #tpu.memory_space<vmem>>, %arg8: memref<128x128xf32, #tpu.memory_space<vmem>>, %arg9: memref<1x128xf32, #tpu.memory_space<vmem>>, %arg10: memref<224x128xf32, #tpu.memory_space<vmem>>, %arg11: memref<1x128xf32, #tpu.memory_space<vmem>>, %arg12: memref<128x128xf32, #tpu.memory_space<vmem>>, %arg13: memref<1x128xf32, #tpu.memory_space<vmem>>, %arg14: memref<2048x128xf32, #tpu.memory_space<vmem>>) attributes {dimension_semantics = [#tpu.dimension_semantics<arbitrary>], iteration_bounds = array<i64: 8>, scalar_prefetch = 0 : i64, scratch_operands = 0 : i64, tpu.core_type = #tpu.core_type<tc>, window_params = [{transform_indices = @transform_0, window_bounds = array<i64: 2048, 32>}, {transform_indices = @transform_1, window_bounds = array<i64: 2048, 32>}, {transform_indices = @transform_2, window_bounds = array<i64: 2048, 16>}, {transform_indices = @transform_3, window_bounds = array<i64: 2048, 16>}, {transform_indices = @transform_4, window_bounds = array<i64: 2048, 3>}, {pipeline_mode = #tpu.pipeline_mode<synchronous>, transform_indices = @transform_5, window_bounds = array<i64: 3, 128>}, {pipeline_mode = #tpu.pipeline_mode<synchronous>, transform_indices = @transform_6, window_bounds = array<i64: 1, 128>}, {pipeline_mode = #tpu.pipeline_mode<synchronous>, transform_indices = @transform_7, window_bounds = array<i64: 128, 128>}, {pipeline_mode = #tpu.pipeline_mode<synchronous>, transform_indices = @transform_8, window_bounds = array<i64: 1, 128>}, {pipeline_mode = #tpu.pipeline_mode<synchronous>, transform_indices = @transform_9, window_bounds = array<i64: 224, 128>}, {pipeline_mode = #tpu.pipeline_mode<synchronous>, transform_indices = @transform_10, window_bounds = array<i64: 1, 128>}, {pipeline_mode = #tpu.pipeline_mode<synchronous>, transform_indices = @transform_11, window_bounds = array<i64: 128, 128>}, {pipeline_mode = #tpu.pipeline_mode<synchronous>, transform_indices = @transform_12, window_bounds = array<i64: 1, 128>}, {transform_indices = @transform_13, window_bounds = array<i64: 2048, 128>}]} {
    %get3A = arith.constant 0 : index
    %get3A_0 = arith.constant 0 : index
    %get3A_1 = vector.load %arg5[%get3A, %get3A_0] : memref<2048x3xf32, #tpu.memory_space<vmem>>, vector<2048x3xf32>
    %get3A_2 = arith.constant 0 : index
    %get3A_3 = arith.constant 0 : index
    %get3A_4 = vector.load %arg6[%get3A_2, %get3A_3] : memref<3x128xf32, #tpu.memory_space<vmem>>, vector<3x128xf32>
    %dot_general3A = arith.constant dense<0.000000e+00> : vector<2048x128xf32>
    %dot_general3A_5 = tpu.matmul %get3A_1, %get3A_4, %dot_general3A {dimension_numbers = #tpu.dot_dimension_numbers<[1], [0], [0], [1], [0, 0, 1, 1], [], []>, transpose_lhs_hint = false} : vector<2048x3xf32>, vector<3x128xf32>, vector<2048x128xf32> -> vector<2048x128xf32>
    %get3A_6 = arith.constant 0 : index
    %get3A_7 = arith.constant 0 : index
    %get3A_8 = vector.load %arg7[%get3A_6, %get3A_7] : memref<1x128xf32, #tpu.memory_space<vmem>>, vector<1x128xf32>
    %add3A = vector.broadcast %get3A_8 : vector<1x128xf32> to vector<2048x128xf32>
    %add3A_9 = arith.addf %dot_general3A_5, %add3A : vector<2048x128xf32>
    %max3A = arith.constant 0.000000e+00 : f32
    %max3A_10 = vector.broadcast %max3A : f32 to vector<2048x128xf32>
    %max3A_11 = arith.maximumf %add3A_9, %max3A_10 : vector<2048x128xf32>
    %get3A_12 = arith.constant 0 : index
    %get3A_13 = arith.constant 0 : index
    %get3A_14 = vector.load %arg8[%get3A_12, %get3A_13] : memref<128x128xf32, #tpu.memory_space<vmem>>, vector<128x128xf32>
    %dot_general3A_15 = arith.constant dense<0.000000e+00> : vector<2048x128xf32>
    %dot_general3A_16 = tpu.matmul %max3A_11, %get3A_14, %dot_general3A_15 {dimension_numbers = #tpu.dot_dimension_numbers<[1], [0], [0], [1], [0, 0, 1, 1], [], []>, transpose_lhs_hint = false} : vector<2048x128xf32>, vector<128x128xf32>, vector<2048x128xf32> -> vector<2048x128xf32>
    %get3A_17 = arith.constant 0 : index
    %get3A_18 = arith.constant 0 : index
    %get3A_19 = vector.load %arg9[%get3A_17, %get3A_18] : memref<1x128xf32, #tpu.memory_space<vmem>>, vector<1x128xf32>
    %add3A_20 = vector.broadcast %get3A_19 : vector<1x128xf32> to vector<2048x128xf32>
    %add3A_21 = arith.addf %dot_general3A_16, %add3A_20 : vector<2048x128xf32>
    %max3A_22 = arith.constant 0.000000e+00 : f32
    %max3A_23 = vector.broadcast %max3A_22 : f32 to vector<2048x128xf32>
    %max3A_24 = arith.maximumf %add3A_21, %max3A_23 : vector<2048x128xf32>
    %get3A_25 = arith.constant 0 : index
    %get3A_26 = arith.constant 0 : index
    %get3A_27 = vector.load %arg1[%get3A_25, %get3A_26] : memref<2048x32xf32, #tpu.memory_space<vmem>>, vector<2048x32xf32>
    %get3A_28 = arith.constant 0 : index
    %get3A_29 = arith.constant 0 : index
    %get3A_30 = vector.load %arg10[%get3A_28, %get3A_29] : memref<224x128xf32, #tpu.memory_space<vmem>>, vector<32x128xf32>
    %dot_general3A_31 = arith.constant dense<0.000000e+00> : vector<2048x128xf32>
    %dot_general3A_32 = tpu.matmul %get3A_27, %get3A_30, %dot_general3A_31 {dimension_numbers = #tpu.dot_dimension_numbers<[1], [0], [0], [1], [0, 0, 1, 1], [], []>, transpose_lhs_hint = false} : vector<2048x32xf32>, vector<32x128xf32>, vector<2048x128xf32> -> vector<2048x128xf32>
    %get3A_33 = arith.constant 0 : index
    %get3A_34 = arith.constant 0 : index
    %get3A_35 = vector.load %arg2[%get3A_33, %get3A_34] : memref<2048x32xf32, #tpu.memory_space<vmem>>, vector<2048x32xf32>
    %get3A_36 = arith.constant 32 : index
    %get3A_37 = arith.constant 0 : index
    %get3A_38 = vector.load %arg10[%get3A_36, %get3A_37] : memref<224x128xf32, #tpu.memory_space<vmem>>, vector<32x128xf32>
    %dot_general3A_39 = arith.constant dense<0.000000e+00> : vector<2048x128xf32>
    %dot_general3A_40 = tpu.matmul %get3A_35, %get3A_38, %dot_general3A_39 {dimension_numbers = #tpu.dot_dimension_numbers<[1], [0], [0], [1], [0, 0, 1, 1], [], []>, transpose_lhs_hint = false} : vector<2048x32xf32>, vector<32x128xf32>, vector<2048x128xf32> -> vector<2048x128xf32>
    %add3A_41 = arith.addf %dot_general3A_32, %dot_general3A_40 : vector<2048x128xf32>
    %get3A_42 = arith.constant 0 : index
    %get3A_43 = arith.constant 0 : index
    %get3A_44 = vector.load %arg3[%get3A_42, %get3A_43] : memref<2048x16xf32, #tpu.memory_space<vmem>>, vector<2048x16xf32>
    %get3A_45 = arith.constant 64 : index
    %get3A_46 = arith.constant 0 : index
    %get3A_47 = vector.load %arg10[%get3A_45, %get3A_46] : memref<224x128xf32, #tpu.memory_space<vmem>>, vector<16x128xf32>
    %dot_general3A_48 = arith.constant dense<0.000000e+00> : vector<2048x128xf32>
    %dot_general3A_49 = tpu.matmul %get3A_44, %get3A_47, %dot_general3A_48 {dimension_numbers = #tpu.dot_dimension_numbers<[1], [0], [0], [1], [0, 0, 1, 1], [], []>, transpose_lhs_hint = false} : vector<2048x16xf32>, vector<16x128xf32>, vector<2048x128xf32> -> vector<2048x128xf32>
    %add3A_50 = arith.addf %add3A_41, %dot_general3A_49 : vector<2048x128xf32>
    %get3A_51 = arith.constant 0 : index
    %get3A_52 = arith.constant 0 : index
    %get3A_53 = vector.load %arg4[%get3A_51, %get3A_52] : memref<2048x16xf32, #tpu.memory_space<vmem>>, vector<2048x16xf32>
    %get3A_54 = arith.constant 80 : index
    %get3A_55 = arith.constant 0 : index
    %get3A_56 = vector.load %arg10[%get3A_54, %get3A_55] : memref<224x128xf32, #tpu.memory_space<vmem>>, vector<16x128xf32>
    %dot_general3A_57 = arith.constant dense<0.000000e+00> : vector<2048x128xf32>
    %dot_general3A_58 = tpu.matmul %get3A_53, %get3A_56, %dot_general3A_57 {dimension_numbers = #tpu.dot_dimension_numbers<[1], [0], [0], [1], [0, 0, 1, 1], [], []>, transpose_lhs_hint = false} : vector<2048x16xf32>, vector<16x128xf32>, vector<2048x128xf32> -> vector<2048x128xf32>
    %add3A_59 = arith.addf %add3A_50, %dot_general3A_58 : vector<2048x128xf32>
    %get3A_60 = arith.constant 96 : index
    %get3A_61 = arith.constant 0 : index
    %get3A_62 = vector.load %arg10[%get3A_60, %get3A_61] : memref<224x128xf32, #tpu.memory_space<vmem>>, vector<128x128xf32>
    %dot_general3A_63 = arith.constant dense<0.000000e+00> : vector<2048x128xf32>
    %dot_general3A_64 = tpu.matmul %max3A_24, %get3A_62, %dot_general3A_63 {dimension_numbers = #tpu.dot_dimension_numbers<[1], [0], [0], [1], [0, 0, 1, 1], [], []>, transpose_lhs_hint = false} : vector<2048x128xf32>, vector<128x128xf32>, vector<2048x128xf32> -> vector<2048x128xf32>
    %add3A_65 = arith.addf %add3A_59, %dot_general3A_64 : vector<2048x128xf32>
    %get3A_66 = arith.constant 0 : index
    %get3A_67 = arith.constant 0 : index
    %get3A_68 = vector.load %arg11[%get3A_66, %get3A_67] : memref<1x128xf32, #tpu.memory_space<vmem>>, vector<1x128xf32>
    %add3A_69 = vector.broadcast %get3A_68 : vector<1x128xf32> to vector<2048x128xf32>
    %add3A_70 = arith.addf %add3A_65, %add3A_69 : vector<2048x128xf32>
    %max3A_71 = arith.constant 0.000000e+00 : f32
    %max3A_72 = vector.broadcast %max3A_71 : f32 to vector<2048x128xf32>
    %max3A_73 = arith.maximumf %add3A_70, %max3A_72 : vector<2048x128xf32>
    %get3A_74 = arith.constant 0 : index
    %get3A_75 = arith.constant 0 : index
    %get3A_76 = vector.load %arg12[%get3A_74, %get3A_75] : memref<128x128xf32, #tpu.memory_space<vmem>>, vector<128x128xf32>
    %dot_general3A_77 = arith.constant dense<0.000000e+00> : vector<2048x128xf32>
    %dot_general3A_78 = tpu.matmul %max3A_73, %get3A_76, %dot_general3A_77 {dimension_numbers = #tpu.dot_dimension_numbers<[1], [0], [0], [1], [0, 0, 1, 1], [], []>, transpose_lhs_hint = false} : vector<2048x128xf32>, vector<128x128xf32>, vector<2048x128xf32> -> vector<2048x128xf32>
    %get3A_79 = arith.constant 0 : index
    %get3A_80 = arith.constant 0 : index
    %get3A_81 = vector.load %arg13[%get3A_79, %get3A_80] : memref<1x128xf32, #tpu.memory_space<vmem>>, vector<1x128xf32>
    %add3A_82 = vector.broadcast %get3A_81 : vector<1x128xf32> to vector<2048x128xf32>
    %add3A_83 = arith.addf %dot_general3A_78, %add3A_82 : vector<2048x128xf32>
    %swap3A = arith.constant 0 : index
    %swap3A_84 = arith.constant 0 : index
    %swap3A_85 = vector.load %arg14[%swap3A, %swap3A_84] : memref<2048x128xf32, #tpu.memory_space<vmem>>, vector<2048x128xf32>
    tpu.vector_store %arg14[%swap3A, %swap3A_84], %add3A_83 {strides = array<i32>} : memref<2048x128xf32, #tpu.memory_space<vmem>>, vector<2048x128xf32>,
    return
  }
  func.func @transform_0(%arg0: i32) -> (i32, i32) {
    %c0_i32 = arith.constant 0 : i32
    %c0_i32_0 = arith.constant 0 : i32
    return %arg0, %c0_i32 : i32, i32
  }
  func.func @transform_1(%arg0: i32) -> (i32, i32) {
    %c0_i32 = arith.constant 0 : i32
    %c0_i32_0 = arith.constant 0 : i32
    return %arg0, %c0_i32 : i32, i32
  }
  func.func @transform_2(%arg0: i32) -> (i32, i32) {
    %c0_i32 = arith.constant 0 : i32
    %c0_i32_0 = arith.constant 0 : i32
    return %arg0, %c0_i32 : i32, i32
  }
  func.func @transform_3(%arg0: i32) -> (i32, i32) {
    %c0_i32 = arith.constant 0 : i32
    %c0_i32_0 = arith.constant 0 : i32
    return %arg0, %c0_i32 : i32, i32
  }
  func.func @transform_4(%arg0: i32) -> (i32, i32) {
    %c0_i32 = arith.constant 0 : i32
    %c0_i32_0 = arith.constant 0 : i32
    return %arg0, %c0_i32 : i32, i32
  }
  func.func @transform_5(%arg0: i32) -> (i32, i32) {
    %c0_i32 = arith.constant 0 : i32
    %c0_i32_0 = arith.constant 0 : i32
    %c0_i32_1 = arith.constant 0 : i32
    return %c0_i32, %c0_i32_0 : i32, i32
  }
  func.func @transform_6(%arg0: i32) -> (i32, i32) {
    %c0_i32 = arith.constant 0 : i32
    %c0_i32_0 = arith.constant 0 : i32
    %c0_i32_1 = arith.constant 0 : i32
    return %c0_i32, %c0_i32_0 : i32, i32
  }
  func.func @transform_7(%arg0: i32) -> (i32, i32) {
    %c0_i32 = arith.constant 0 : i32
    %c0_i32_0 = arith.constant 0 : i32
    %c0_i32_1 = arith.constant 0 : i32
    return %c0_i32, %c0_i32_0 : i32, i32
  }
  func.func @transform_8(%arg0: i32) -> (i32, i32) {
    %c0_i32 = arith.constant 0 : i32
    %c0_i32_0 = arith.constant 0 : i32
    %c0_i32_1 = arith.constant 0 : i32
    return %c0_i32, %c0_i32_0 : i32, i32
  }
  func.func @transform_9(%arg0: i32) -> (i32, i32) {
    %c0_i32 = arith.constant 0 : i32
    %c0_i32_0 = arith.constant 0 : i32
    %c0_i32_1 = arith.constant 0 : i32
    return %c0_i32, %c0_i32_0 : i32, i32
  }
  func.func @transform_10(%arg0: i32) -> (i32, i32) {
    %c0_i32 = arith.constant 0 : i32
    %c0_i32_0 = arith.constant 0 : i32
    %c0_i32_1 = arith.constant 0 : i32
    return %c0_i32, %c0_i32_0 : i32, i32
  }
  func.func @transform_11(%arg0: i32) -> (i32, i32) {
    %c0_i32 = arith.constant 0 : i32
    %c0_i32_0 = arith.constant 0 : i32
    %c0_i32_1 = arith.constant 0 : i32
    return %c0_i32, %c0_i32_0 : i32, i32
  }
  func.func @transform_12(%arg0: i32) -> (i32, i32) {
    %c0_i32 = arith.constant 0 : i32
    %c0_i32_0 = arith.constant 0 : i32
    %c0_i32_1 = arith.constant 0 : i32
    return %c0_i32, %c0_i32_0 : i32, i32
  }
  func.func @transform_13(%arg0: i32) -> (i32, i32) {
    %c0_i32 = arith.constant 0 : i32
    %c0_i32_0 = arith.constant 0 : i32
    return %arg0, %c0_i32 : i32, i32
  }
}

</mosaic_0001>

<sc_bundles>
// kernel: kernel.4.cloned.1.call-start
scs
__scs_entry_jumppad:
0x0: {  	(pc) =	sbr.rel $0x88, $3  }
0x1: {  	(tag) =	ssettag $0x0;
	lr =	simm.s32 $0x1  }
0x2: {  	[smem:$0x3F8E] =	sst lr;
	_ =	strace $0xD0000000  }
0x3: {  	_ = 	snop  }
0x4: {  	_ = 	snop  }
0x5: {  	_ = 	snop  }
0x6: {  	_ = 	snop  }
0x7: {  	_ = 	snop  }
__scs_overlays_trampoline_lowered:
0x8: {  	[smem:$0x3F9D] =	sst s0  }
0x9: {  	[smem:$0x3F9E] =	sst s1  }
0xa: {  	[smem:$0x3F9F] =	sst s2  }
0xb: {  	[smem:$0x3FA0] =	sst s3  }
0xc: {  	[smem:$0x3FA1] =	sst s4  }
0xd: {  	[smem:$0x3FA2] =	sst s5  }
0xe: {  	[smem:$0x3FA3] =	sst s6  }
0xf: {  	[smem:$0x3FA4] =	sst s7  }
0x10: {  	[smem:$0x3FA5] =	sst s8  }
0x11: {  	[smem:$0x3FA6] =	sst s9;
	s0 =	simm.s32 @!p0 $0x0  }
0x12: {  	s1 =	sld [smem:$0x3F8C];
	s0 =	simm.s32 @p0 $0x1  }
0x13: {  	[smem:$0x3FA7] =	sst s0;
	s0 =	simm.s32 @!p1 $0x0  }
0x14: {  	s2 =	sld [smem:$0x3F8B];
	s0 =	simm.s32 @p1 $0x1  }
0x15: {  	[smem:$0x3FA8] =	sst s0;
	s0 =	simm.s32 @!p2 $0x0  }
0x16: {  	s3 =	sld [smem:$0x3FDB];
	s0 =	simm.s32 @p2 $0x1  }
0x17: {  	s4 =	simm.s32 $0x1BF5;
	[smem:$0x3FAA] =	sst s0  }
0x18: {  	s0 =	sld [smem:$0x3F8D];
	_ =	swait.ge [sflag:s4], $0x0  }
0x19: {  	s7 =	sld [smem:$0x3F8E]  }
0x1a: {  	s8 =	sadd.s32 $0xFFFFE003, lr  }
0x1b: {  	s9 =	sadd.s32 $0xFFFFFEF7, lr;
	s5 =	simm.s32 $0xFFFFFFFF;
	p2 =	slt.u32 s8, $0xFFFFF086  }
0x1c: {  	p1 =	slt.u32 s9, $0xF7A;
	s5 =	simm.s32 @!p2 $0x0  }
0x1d: {  	s5 =	simm.s32 @p1 $0x1;
	p0 =	seq.s32 s7, s2  }
0x1e: {  	s7 =	smul.u32 @!p0 $0xF7A, s2;
	p2 =	seq.s32 @!p0 s5, $0x0  }
0x1f: {  	s9 =	smul.u32 $0xF7A, s1;
	s8 =	simm.s32 @!p0 $0x1BF5;
	p2 =	por !p2, p0  }
0x20: {  	[sflag:s8] =	ssyncset.s32 @!p0 $0xFFFFF086;
	s6 =	sadd.s32 @!p0 s3, s7;
	s7 =	simm.s32 @!p0 $0x108  }
0x21: {  	s3 =	sadd.s32 s3, s9;
	s6 =	sadd.s32 @!p0 $0x88, s6;
	s7 =	simm.s32 @p2 $0x1082  }
0x22: {  	[simem:s7], [sflag:s8] =	dma.local @!p0 [hbm:s6], $0xF7A  }
0x23: {  	s9 =	sor.u32 $0xD0000000, s2;
	s6 =	simm.s32 $0x108;
	_ =	swait.ge @!p0 [sflag:s8], $0x0  }
0x24: {  	s3 =	sadd.s32 $0x88, s3;
	s6 =	simm.s32 @!p1 $0x1082;
	[sflag:s4] =	ssyncset.s32 $0xFFFFF086  }
0x25: {  	[simem:s6], [sflag:s4] =	dma.local [hbm:s3], $0xF7A  }
0x26: {  	[smem:$0x3F8E] =	sst s1;
	(tag) =	ssettag s2;
	_ =	strace s9  }
0x27: {  	s1 =	sld [smem:$0x3F9E]  }
0x28: {  	s2 =	sld [smem:$0x3F9F]  }
0x29: {  	s4 =	sld [smem:$0x3FA1]  }
0x2a: {  	p0 =	seq.s32 s5, $0x0;
	s5 =	sld [smem:$0x3FA2]  }
0x2b: {  	s6 =	sld [smem:$0x3FA3]  }
0x2c: {  	s7 =	sld [smem:$0x3FA4]  }
0x2d: {  	s3 =	simm.s32 $0x108;
	s8 =	sld [smem:$0x3FA5]  }
0x2e: {  	s3 =	simm.s32 @!p0 $0x1082;
	s9 =	sld [smem:$0x3FA6]  }
0x2f: {  	lr =	sadd.s32 s0, s3;
	s0 =	sld [smem:$0x3F9D]  }
0x30: {  	s3 =	sld [smem:$0x3FA0]  }
0x31: {  	[smem:$0x3FA9] =	sst s10  }
0x32: {  	s10 =	sld [smem:$0x3FA7];
	_ =	sdelay $0x3  }
0x33: {  	p0 =	seq.s32 s10, $0x1;
	s10 =	sld [smem:$0x3FA9];
	_ =	sdelay $0x3  }
0x34: {  	[smem:$0x3FA9] =	sst s10  }
0x35: {  	s10 =	sld [smem:$0x3FA8];
	_ =	sdelay $0x3  }
0x36: {  	p1 =	seq.s32 s10, $0x1;
	s10 =	sld [smem:$0x3FA9];
	_ =	sdelay $0x3  }
0x37: {  	[smem:$0x3FA9] =	sst s10  }
0x38: {  	s10 =	sld [smem:$0x3FAA]  }
0x39: {  	_ = 	snop;
	(pc) =	sbr.ind lr, $3  }
0x3a: {  	_ = 	snop  }
0x3b: {  	_ = 	snop  }
0x3c: {  	p2 =	seq.s32 s10, $0x1;
	s10 =	sld [smem:$0x3FA9]  }
0x3d: {  	_ =	shalt  }
0x3e: {  	_ =	shalt  }
0x3f: {  	_ =	shalt  }
0x40: {  	_ =	shalt  }
0x41: {  	_ =	shalt  }
0x42: {  	_ =	shalt  }
0x43: {  	_ =	shalt  }
0x44: {  	_ =	shalt  }
0x45: {  	_ =	shalt  }
0x46: {  	_ =	shalt  }
0x47: {  	_ =	shalt  }
0x48: {  	_ =	shalt  }
0x49: {  	_ =	shalt  }
0x4a: {  	_ =	shalt  }
0x4b: {  	_ =	shalt  }
0x4c: {  	_ =	shalt  }
0x4d: {  	_ =	shalt  }
0x4e: {  	_ =	shalt  }
0x4f: {  	_ =	shalt  }
0x50: {  	_ =	shalt  }
0x51: {  	_ =	shalt  }
0x52: {  	_ =	shalt  }
0x53: {  	_ =	shalt  }
0x54: {  	_ =	shalt  }
0x55: {  	_ =	shalt  }
0x56: {  	_ =	shalt  }
0x57: {  	_ =	shalt  }
0x58: {  	_ =	shalt  }
0x59: {  	_ =	shalt  }
0x5a: {  	_ =	shalt  }
0x5b: {  	_ =	shalt  }
0x5c: {  	_ =	shalt  }
0x5d: {  	_ =	shalt  }
0x5e: {  	_ =	shalt  }
0x5f: {  	_ =	shalt  }
0x60: {  	_ =	shalt  }
0x61: {  	_ =	shalt  }
0x62: {  	_ =	shalt  }
0x63: {  	_ =	shalt  }
0x64: {  	_ =	shalt  }
0x65: {  	_ =	shalt  }
0x66: {  	_ =	shalt  }
0x67: {  	_ =	shalt  }
0x68: {  	_ =	shalt  }
0x69: {  	_ =	shalt  }
0x6a: {  	_ =	shalt  }
0x6b: {  	_ =	shalt  }
0x6c: {  	_ =	shalt  }
0x6d: {  	_ =	shalt  }
0x6e: {  	_ =	shalt  }
0x6f: {  	_ =	shalt  }
0x70: {  	_ =	shalt  }
0x71: {  	_ =	shalt  }
0x72: {  	_ =	shalt  }
0x73: {  	_ =	shalt  }
0x74: {  	_ =	shalt  }
0x75: {  	_ =	shalt  }
0x76: {  	_ =	shalt  }
0x77: {  	_ =	shalt  }
0x78: {  	_ =	shalt  }
0x79: {  	_ =	shalt  }
0x7a: {  	_ =	shalt  }
0x7b: {  	_ =	shalt  }
0x7c: {  	_ =	shalt  }
0x7d: {  	_ =	shalt  }
0x7e: {  	_ =	shalt  }
0x7f: {  	_ =	shalt  }
0x80: {  	_ =	shalt  }
0x81: {  	_ =	shalt  }
0x82: {  	_ =	shalt  }
0x83: {  	_ =	shalt  }
0x84: {  	_ =	shalt  }
0x85: {  	_ =	shalt  }
0x86: {  	_ =	shalt  }
0x87: {  	_ =	shalt  }
.Lfunc_end0:
.L_simem_size_0:
called_computation_lowered:
.L_overlay_start_0:
0x88: {  	s2 =	sld [smem:$0x3FD9]  }
0x89: {  	s3 =	sld [smem:$0x3FFE];
	_ =	sdelay $0x1  }
0x8a: {  	s1 =	srdreg.scid  }
0x8b: {  	s0 =	sand.u32 $0x1, s1  }
0x8c: {  	s17 =	sshll.u32 s0, $0xA;
	s2 =	sadd.s32 s3, s2  }
0x8d: {  	s2 =	sadd.s32 s2, s17  }
0x8e: {  	[smem:$0x3FB5] =	sst s2  }
0x8f: {  	_ = 	snop  }
0x90: {  	s2 =	sld [smem:$0x3FC9]  }
0x91: {  	s18 =	sld [smem:$0x3FC8]  }
0x92: {  	s4 =	sld [smem:$0x3FC7]  }
0x93: {  	s5 =	sld [smem:$0x3FC6]  }
0x94: {  	s6 =	sld [smem:$0x3FD0];
	(tm) =	ssettm $0x1  }
0x95: {  	s7 =	sld [smem:$0x3FFB];
	_ =	sdelay $0x3  }
0x96: {  	_ =	strace s7  }
0x97: {  	s7 =	sld [smem:$0x3FFC];
	_ =	sdelay $0x3  }
0x98: {  	_ =	strace s7  }
0x99: {  	s7 =	sld [smem:$0x3FFD];
	_ =	sdelay $0x3  }
0x9a: {  	_ =	strace s7  }
0x9b: {  	_ =	strace $0x8FFFFFFF  }
0x9c: {  	s19 =	sld [smem:$0x3FDB];
	_ =	sdelay $0x1  }
0x9d: {  	s8 =	simm.s32 $_scs_section_size  }
0x9e: {  	s9 =	simm.s32 $_size__tile_overlayer_lowered;
	s10 =	simm.s32 $_tile_overlayer_lowered  }
0x9f: {  	s22 =	simm.s32 $0x1BFF;
	s21 =	sshll.u32 s10, $0x1;
	s7 =	sadd.s32 s8, s19  }
0xa0: {  	s11 =	simm.s32 $0x0;
	s20 =	sshll.u32 s9, $0x1;
	s9 =	sadd.s32 s21, s7  }
0xa1: {  	[timem:s11], [sflag:s22] =	dma.local [hbm:s9], s20  }
0xa2: {  	_ =	swait.ge [sflag:s22], s20  }
0xa3: {  	s8 =	ssub.s32 $0x0, s20;
	[sflag:s22] =	ssyncset.done $0x0  }
0xa4: {  	[sflag:s22] =	ssyncadd.s32 s8;
	_ =	sdelay $0x1  }
0xa5: {  	s23 =	simm.s32 $0x1B8B  }
0xa6: {  	_ =	swait.ge [sflag:s23], $0x1  }
0xa7: {  	[sflag:s23] =	ssyncset.done $0x0  }
0xa8: {  	s25 =	simm.s32 $0x1B8E;
	s24 =	sld [smem:$0x3FFE];
	[sflag:s23] =	ssyncadd.s32 $0xFFFFFFFF  }
0xa9: {  	s26 =	simm.s32 $execute0_lowered;
	[smem:$0x3FD2] =	sst s25  }
0xaa: {  	s9 =	sshll.u32 s26, $0x1;
	_ =	strace $0x80000046;
	[dreg:$0x1] =	wrdreg $0xFFFFFFFF  }
0xab: {  	s28 =	simm.s32 $_size_execute0_lowered;
	s7 =	sadd.s32 s7, s9;
	[dreg:$0x0] =	wrdreg $0x0  }
0xac: {  	s9 =	sshll.u32 s28, $0x1;
	[dreg:$0x2] =	wrdreg s7  }
0xad: {  	[dreg:$0x3] =	wrdreg s9  }
0xae: {  	[dreg:$0x4] =	wrdreg $0xC0  }
0xaf: {  	_ =	task [dreg:s11], $0x5FFFF  }
0xb0: {  	[dreg:$0x1] =	wrdreg $0xFFFFFFFF  }
0xb1: {  	[dreg:$0x0] =	wrdreg $0x60  }
0xb2: {  	[dreg:$0x2] =	wrdreg s24  }
0xb3: {  	[dreg:$0x3] =	wrdreg s2  }
0xb4: {  	[dreg:$0x4] =	wrdreg s18  }
0xb5: {  	[dreg:$0x5] =	wrdreg s4  }
0xb6: {  	[dreg:$0x6] =	wrdreg s5  }
0xb7: {  	[dreg:$0x7] =	wrdreg s6  }
0xb8: {  	[dreg:$0x8] =	wrdreg $0x9  }
0xb9: {  	_ =	task.clear_ibuf [dreg:s11], $0x9FFFF;
	_ =	strace $0x90000046  }
0xba: {  	s29 =	simm.s32 $0x9;
	_ =	strace $0x80000048  }
0xbb: {  	_ =	swait.ge [sflag:s29], $0x1  }
0xbc: {  	[sflag:s29] =	ssyncadd.s32 $0xFFFFFFFF  }
0xbd: {  	_ =	strace $0x90000048  }
0xbe: {  	_ =	sfence  }
0xbf: {  	s30 =	sld [smem:$0x0];
	_ =	sdelay $0x2  }
0xc0: {  	s31 =	sshll.u32 s1, $0xD;
	s1 =	sshrl.u32 s1, $0x2  }
0xc1: {  	s3 =	sand.u32 $0x4000, s31;
	s1 =	sadd.s32 s1, s30  }
0xc2: {  	s0 =	sor.u32 s3, s0;
	s1 =	sshll.u32 s1, $0x11  }
0xc3: {  	s0 =	sor.u32 s1, s0  }
0xc4: {  	s0 =	sadd.s32 $0x8F2B, s0  }
0xc5: {  	[sflag:s0] =	ssyncadd.remote.s32 $0x1  }
0xc6: {  	_ =	sfence.sel $0xFFFF  }
0xc7: {  	[dreg:$0x0] =	wrdreg $0xFFFFFFFF;
	(pc) =	sbr.abs _section_cstart, $3  }
0xc8: {  	[dreg:$0x1] =	wrdreg $0xFFFFFFFF  }
0xc9: {  	_ =	task.clear_ibuf [dreg:s11], $0x2FFFF;
	_ =	strace $0x9FFFFFFF  }
0xca: {  	(tm) =	ssettm $0x7FFFFFFF  }
0xcb: {  	_ =	shalt  }
tec
execute0_lowered:
.L_overlay_start_1:
0x0: {  	(tag) =	ssettag $0x1  }
0x1: {  	s24 =	rddreg [dreg:$0x0]  }
0x2: {  	s3 =	rddreg [dreg:$0x1]  }
0x3: {  	s5 =	rddreg [dreg:$0x2]  }
0x4: {  	s7 =	rddreg [dreg:$0x3];
	s1 =	srdreg.scid  }
0x5: {  	s9 =	rddreg [dreg:$0x4];
	s0 =	stileid.u32;
	s25 =	sand.u32 $0x1, s1  }
0x6: {  	s20 =	rddreg [dreg:$0x5];
	s4 =	sshll.u32 s0, $0xA;
	s6 =	sshll.u32 s25, $0x9  }
0x7: {  	s2 =	simm.s32 $0x0;
	s1 =	rddreg [dreg:$0x6];
	s26 =	sor.u32 s6, s4  }
0x8: {  	[smem:$0x7FF] =	sst s2;
	s10 =	sshrl.u32 s26, $0x3  }
0x9: {  	_ =	strace $0x80000047;
	s4 =	sadd.s32 s3, s10;
	s3 =	simm.s32 $0x5  }
0xa: {  	[tilespmem:s2], [sflag:$0x5] =	stream.linear.gather [hbm4b:s4+s2], $0x200, $0x38;
	[tilespmem:$0xC800] =	vst v63  }
0xb: {  	_ =	swait.ge [sflag:s3], $0x200  }
0xc: {  	[sflag:s3] =	ssyncset.done $0x0  }
0xd: {  	s6 =	simm.s32 $0x200;
	s5 =	sadd.s32 s5, s10;
	[sflag:s3] =	ssyncadd.s32 $0xFFFFFE00  }
0xe: {  	[tilespmem:s6], [sflag:$0x5] =	stream.linear.gather [hbm4b:s5+s2], $0x200, $0x38;
	[tilespmem:$0xC800] =	vst v63  }
0xf: {  	_ =	swait.ge [sflag:s3], $0x200  }
0x10: {  	[sflag:s3] =	ssyncset.done $0x0  }
0x11: {  	s8 =	simm.s32 $0x400;
	s7 =	sadd.s32 s7, s10;
	[sflag:s3] =	ssyncadd.s32 $0xFFFFFE00  }
0x12: {  	[tilespmem:s8], [sflag:$0x5] =	stream.linear.gather [hbm4b:s7+s2], $0x200, $0x38;
	[tilespmem:$0xC800] =	vst v63  }
0x13: {  	_ =	swait.ge [sflag:s3], $0x200  }
0x14: {  	[sflag:s3] =	ssyncset.done $0x0  }
0x15: {  	s9 =	sadd.s32 s9, s10;
	s10 =	simm.s32 $0x600;
	[sflag:s3] =	ssyncadd.s32 $0xFFFFFE00  }
0x16: {  	[tilespmem:s10], [sflag:$0x5] =	stream.linear.gather [hbm4b:s9+s2], $0x200, $0x38;
	[tilespmem:$0xC800] =	vst v63  }
0x17: {  	_ =	swait.ge [sflag:s3], $0x200  }
0x18: {  	[sflag:s3] =	ssyncset.done $0x0  }
0x19: {  	s12 =	simm.s32 $0x800;
	s11 =	sadd.s32 $0xF44C00, s24;
	[sflag:s3] =	ssyncadd.s32 $0xFFFFFE00  }
0x1a: {  	[tilespmem:s12], [sflag:$0x1] =	stream.indirect.gather [hbm4b:s11+s6], $0x20, s2, s6, $0xb8;
	[tilespmem:$0xC800] =	vst v63  }
0x1b: {  	s14 =	simm.s32 $0x4800;
	s13 =	sadd.s32 $0x189200, s24  }
0x1c: {  	[tilespmem:s14], [sflag:$0x2] =	stream.indirect.gather [hbm4b:s13+s6], $0x20, s6, s6, $0xb8;
	[tilespmem:$0xC800] =	vst v63  }
0x1d: {  	s16 =	simm.s32 $0x8800;
	s15 =	sadd.s32 $0x3000, s24  }
0x1e: {  	[tilespmem:s16], [sflag:$0x3] =	stream.indirect.gather [hbm4b:s15+s6], $0x10, s8, s6, $0xb8;
	[tilespmem:$0xC800] =	vst v63  }
0x1f: {  	s18 =	simm.s32 $0xA800;
	s19 =	simm.s32 $0x1;
	s17 =	sadd.s32 $0x2800, s24  }
0x20: {  	[tilespmem:s18], [sflag:$0x4] =	stream.indirect.gather [hbm4b:s17+s6], $0x10, s10, s6, $0xb8;
	[tilespmem:$0xC800] =	vst v63  }
0x21: {  	_ =	swait.ge [sflag:s19], $0x4000  }
0x22: {  	s22 =	sshll.u32 s26, $0x2;
	[sflag:s19] =	ssyncset.done $0x0  }
0x23: {  	s20 =	sadd.s32 s20, s22;
	[sflag:s19] =	ssyncadd.s32 $0xFFFFC000  }
0x24: {  	[hbm4b:s20+s2] =	stream.linear.scatter [tilespmem:s12], [sflag:$0x5], $0x4000, $0x38;
	[tilespmem:$0xC800] =	vst v63  }
0x25: {  	_ =	swait.ge [sflag:s3], $0x4000  }
0x26: {  	[sflag:s3] =	ssyncset.done $0x0  }
0x27: {  	s21 =	simm.s32 $0x2;
	[sflag:s3] =	ssyncadd.s32 $0xFFFFC000  }
0x28: {  	_ =	swait.ge [sflag:s21], $0x4000  }
0x29: {  	s22 =	sadd.s32 s22, s24;
	[sflag:s21] =	ssyncset.done $0x0  }
0x2a: {  	s22 =	sadd.s32 $0x13800, s22;
	[sflag:s21] =	ssyncadd.s32 $0xFFFFC000  }
0x2b: {  	[hbm4b:s22+s2] =	stream.linear.scatter [tilespmem:s14], [sflag:$0x5], $0x4000, $0x38;
	[tilespmem:$0xC800] =	vst v63  }
0x2c: {  	_ =	swait.ge [sflag:s3], $0x4000  }
0x2d: {  	[sflag:s3] =	ssyncset.done $0x0  }
0x2e: {  	s23 =	simm.s32 $0x3;
	[sflag:s3] =	ssyncadd.s32 $0xFFFFC000  }
0x2f: {  	s26 =	sshll.u32 s26, $0x1;
	_ =	swait.ge [sflag:s23], $0x2000  }
0x30: {  	s26 =	sadd.s32 s26, s24;
	[sflag:s23] =	ssyncset.done $0x0  }
0x31: {  	s28 =	ssub.s32 $0x2, s25;
	s24 =	sadd.s32 $0xB800, s26;
	[sflag:s23] =	ssyncadd.s32 $0xFFFFE000  }
0x32: {  	[hbm4b:s24+s2] =	stream.linear.scatter [tilespmem:s16], [sflag:$0x5], $0x2000, $0x38;
	[tilespmem:$0xC800] =	vst v63  }
0x33: {  	s29 =	sshrl.u32 s28, $0x1;
	_ =	swait.ge [sflag:s3], $0x2000  }
0x34: {  	s28 =	ssub.s32 s28, s29;
	[sflag:s3] =	ssyncset.done $0x0  }
0x35: {  	s25 =	simm.s32 $0x4;
	s28 =	smax.u32 s28, $0x1;
	[sflag:s3] =	ssyncadd.s32 $0xFFFFE000  }
0x36: {  	p0 =	sne.s32 s28, $0x1;
	_ =	swait.ge [sflag:s25], $0x2000  }
.Ltmp0:
0x37: {  	[sflag:s25] =	ssyncset.done $0x0;
	(pc) =	sbr.rel @!p0 .LBB2_2-.Ltmp0, $4  }
0x38: {  	s26 =	sadd.s32 $0x3800, s26;
	[sflag:s25] =	ssyncadd.s32 $0xFFFFE000  }
0x39: {  	[hbm4b:s26+s2] =	stream.linear.scatter [tilespmem:s18], [sflag:$0x5], $0x2000, $0x38;
	[tilespmem:$0xC800] =	vst v63  }
0x3a: {  	_ =	swait.ge [sflag:s3], $0x2000  }
0x3b: {  	s28 =	sadd.s32 $0xFFFFFFFF, s28;
	[sflag:s3] =	ssyncset.done $0x0  }
.LBB2_1:
0x3c: {  	p0 =	sne.s32 s28, $0x1;
	s28 =	sadd.s32 $0xFFFFFFFF, s28;
	[sflag:s3] =	ssyncadd.s32 $0xFFFFE000  }
0x3d: {  	[tilespmem:s2], [sflag:$0x5] =	stream.linear.gather [hbm4b:s4+s2], $0x200, $0x38;
	[tilespmem:$0xC800] =	vst v63  }
0x3e: {  	_ =	swait.ge [sflag:s3], $0x200  }
0x3f: {  	[sflag:s3] =	ssyncset.done $0x0  }
0x40: {  	[sflag:s3] =	ssyncadd.s32 $0xFFFFFE00  }
0x41: {  	[tilespmem:s6], [sflag:$0x5] =	stream.linear.gather [hbm4b:s5+s2], $0x200, $0x38;
	[tilespmem:$0xC800] =	vst v63  }
0x42: {  	_ =	swait.ge [sflag:s3], $0x200  }
0x43: {  	[sflag:s3] =	ssyncset.done $0x0  }
0x44: {  	[sflag:s3] =	ssyncadd.s32 $0xFFFFFE00  }
0x45: {  	[tilespmem:s8], [sflag:$0x5] =	stream.linear.gather [hbm4b:s7+s2], $0x200, $0x38;
	[tilespmem:$0xC800] =	vst v63  }
0x46: {  	_ =	swait.ge [sflag:s3], $0x200  }
0x47: {  	[sflag:s3] =	ssyncset.done $0x0  }
0x48: {  	[sflag:s3] =	ssyncadd.s32 $0xFFFFFE00  }
0x49: {  	[tilespmem:s10], [sflag:$0x5] =	stream.linear.gather [hbm4b:s9+s2], $0x200, $0x38;
	[tilespmem:$0xC800] =	vst v63  }
0x4a: {  	_ =	swait.ge [sflag:s3], $0x200  }
0x4b: {  	[sflag:s3] =	ssyncset.done $0x0  }
0x4c: {  	[sflag:s3] =	ssyncadd.s32 $0xFFFFFE00  }
0x4d: {  	[tilespmem:s12], [sflag:$0x1] =	stream.indirect.gather [hbm4b:s11+s6], $0x20, s2, s6, $0xb8;
	[tilespmem:$0xC800] =	vst v63  }
0x4e: {  	_ = 	snop  }
0x4f: {  	[tilespmem:s14], [sflag:$0x2] =	stream.indirect.gather [hbm4b:s13+s6], $0x20, s6, s6, $0xb8;
	[tilespmem:$0xC800] =	vst v63  }
0x50: {  	_ = 	snop  }
0x51: {  	[tilespmem:s16], [sflag:$0x3] =	stream.indirect.gather [hbm4b:s15+s6], $0x10, s8, s6, $0xb8;
	[tilespmem:$0xC800] =	vst v63  }
0x52: {  	_ = 	snop  }
0x53: {  	[tilespmem:s18], [sflag:$0x4] =	stream.indirect.gather [hbm4b:s17+s6], $0x10, s10, s6, $0xb8;
	[tilespmem:$0xC800] =	vst v63  }
0x54: {  	_ =	swait.ge [sflag:s19], $0x4000  }
0x55: {  	[sflag:s19] =	ssyncset.done $0x0  }
0x56: {  	[sflag:s19] =	ssyncadd.s32 $0xFFFFC000  }
0x57: {  	[hbm4b:s20+s2] =	stream.linear.scatter [tilespmem:s12], [sflag:$0x5], $0x4000, $0x38;
	[tilespmem:$0xC800] =	vst v63  }
0x58: {  	_ =	swait.ge [sflag:s3], $0x4000  }
0x59: {  	[sflag:s3] =	ssyncset.done $0x0  }
0x5a: {  	[sflag:s3] =	ssyncadd.s32 $0xFFFFC000  }
0x5b: {  	_ =	swait.ge [sflag:s21], $0x4000  }
0x5c: {  	[sflag:s21] =	ssyncset.done $0x0  }
0x5d: {  	[sflag:s21] =	ssyncadd.s32 $0xFFFFC000  }
0x5e: {  	[hbm4b:s22+s2] =	stream.linear.scatter [tilespmem:s14], [sflag:$0x5], $0x4000, $0x38;
	[tilespmem:$0xC800] =	vst v63  }
0x5f: {  	_ =	swait.ge [sflag:s3], $0x4000  }
0x60: {  	[sflag:s3] =	ssyncset.done $0x0  }
0x61: {  	[sflag:s3] =	ssyncadd.s32 $0xFFFFC000  }
0x62: {  	_ =	swait.ge [sflag:s23], $0x2000  }
0x63: {  	[sflag:s23] =	ssyncset.done $0x0  }
0x64: {  	[sflag:s23] =	ssyncadd.s32 $0xFFFFE000  }
0x65: {  	[hbm4b:s24+s2] =	stream.linear.scatter [tilespmem:s16], [sflag:$0x5], $0x2000, $0x38;
	[tilespmem:$0xC800] =	vst v63  }
0x66: {  	_ =	swait.ge [sflag:s3], $0x2000  }
0x67: {  	[sflag:s3] =	ssyncset.done $0x0  }
0x68: {  	[sflag:s3] =	ssyncadd.s32 $0xFFFFE000  }
0x69: {  	_ =	swait.ge [sflag:s25], $0x2000  }
.Ltmp1:
0x6a: {  	[sflag:s25] =	ssyncset.done $0x0;
	(pc) =	sbr.rel @p0 .LBB2_1-.Ltmp1, $4  }
0x6b: {  	[sflag:s25] =	ssyncadd.s32 $0xFFFFE000  }
0x6c: {  	[hbm4b:s26+s2] =	stream.linear.scatter [tilespmem:s18], [sflag:$0x5], $0x2000, $0x38;
	[tilespmem:$0xC800] =	vst v63  }
0x6d: {  	_ =	swait.ge [sflag:s3], $0x2000  }
0x6e: {  	[sflag:s3] =	ssyncset.done $0x0  }
.LBB2_2:
0x6f: {  	[sflag:s3] =	ssyncadd.s32 $0xFFFFE000  }
0x70: {  	_ =	sfence.sel $0x180000  }
0x71: {  	[bflag:$0x0] =	sbarrier.arrive $0xFFFF  }
0x72: {  	p0 =	sne.s32 s0, $0x0;
	_ =	strace $0x90000047  }
0x73: {  	s0 =	sadd.s32 @!p0 $0x100000, s1;
	[bflag:$0x2] =	sbarrier.arrive $0xFFFF  }
0x74: {  	[sflag:s0] =	ssyncadd.tile.s32 @!p0 $0x1;
	_ =	shalt  }
.Lfunc_end2:
_tile_overlayer_lowered:
.L_overlay_start_2:
0x75: {  	(tag) =	ssettag $0x2  }
0x76: {  	s0 =	rddreg [dreg:$0x0];
	s2 =	stileid.u32  }
0x77: {  	s1 =	rddreg [dreg:$0x1];
	p0 =	sne.s32 s2, $0x0  }
0x78: {  	s3 =	rddreg [dreg:$0x2];
	[bflag:$0x3] =	sbarrier.arrive $0xFFFF;
	s2 =	simm.s32 @!p0 $0x1C05  }
0x79: {  	[timem:s3], [sflag:s2] =	dma.local @!p0 [hbm:s0], s1  }
0x7a: {  	s0 =	simm.s32 @!p0 $0x5  }
0x7b: {  	_ =	swait.ge @!p0 [sflag:s0], s1  }
0x7c: {  	s1 =	ssub.s32 @!p0 $0x0, s1;
	[sflag:s0] =	ssyncset.done @!p0 $0x0  }
0x7d: {  	[sflag:s0] =	ssyncadd.s32 @!p0 s1  }
0x7e: {  	[bflag:$0x3] =	sbarrier.arrive $0xFFFF  }
0x7f: {  	_ =	shalt  }

</sc_bundles>
